<compile_context>
chip_gen: v7x
topology: tpu7x:2x2x1
jax: 0.10.2.dev20260603
libtpu: 0.0.44.dev20260713+nightly
codegen_flags: <defaults>
</compile_context>

<pallas_src>
import functools

import jax
import jax.numpy as jnp
from jax import lax
from jax.experimental import pallas as pl
from jax.experimental.pallas import tpu as pltpu
from jax.experimental.pallas import tpu_sc as plsc

LSEQ = 200
EMBD = 32
BATCH = 4096
NWORK = 32
BPW = BATCH // NWORK
HALF = 16


def _sc_pool(iit, emb):
    mesh = plsc.VectorSubcoreMesh(core_axis_name="c", subcore_axis_name="s")

    @functools.partial(
        pl.kernel,
        out_type=jax.ShapeDtypeStruct((BATCH, EMBD), jnp.float32),
        mesh=mesh,
        scratch_types=[
            pltpu.VMEM((BPW * LSEQ,), jnp.int32),
            pltpu.VMEM((LSEQ, EMBD), jnp.float32),
            pltpu.VMEM((LSEQ, EMBD), jnp.float32),
            pltpu.VMEM((BPW, EMBD), jnp.float32),
            pltpu.SemaphoreType.DMA,
            pltpu.SemaphoreType.DMA,
        ],
        compiler_params=pltpu.CompilerParams(use_tc_tiling_on_sc=False),
    )
    def pool(ii_hbm, emb_hbm, out_hbm, idx_v, rows0, rows1, xm_v, sem0, sem1):
        wid = lax.axis_index("s") * 2 + lax.axis_index("c")
        base = wid * BPW
        pltpu.sync_copy(ii_hbm.at[pl.ds(base * LSEQ, BPW * LSEQ)], idx_v)

        def idx_slice(b):
            return idx_v.at[pl.ds(pl.multiple_of(b * LSEQ, 8), LSEQ)]

        def start_gather(b, rows_ref, sem):
            pltpu.async_copy(emb_hbm.at[idx_slice(b)], rows_ref, sem)

        def wait_gather(b, rows_ref, sem):
            pltpu.make_async_copy(emb_hbm.at[idx_slice(b)], rows_ref, sem).wait()

        def reduce_rows(rows_ref, b):
            zero = jnp.zeros((HALF,), jnp.float32)
            one = jnp.full((HALF,), 1.0, jnp.float32)

            def body(l, carry):
                s0, s1, c0, c1 = carry
                x0 = rows_ref[l, pl.ds(0, HALF)]
                x1 = rows_ref[l, pl.ds(HALF, HALF)]
                s0 = s0 + x0
                s1 = s1 + x1
                c0 = c0 + jnp.where(x0 != zero, one, zero)
                c1 = c1 + jnp.where(x1 != zero, one, zero)
                return s0, s1, c0, c1

            s0, s1, c0, c1 = lax.fori_loop(0, LSEQ, body, (zero, zero, zero, zero))
            xm_v[b, pl.ds(0, HALF)] = s0 / jnp.maximum(c0, one)
            xm_v[b, pl.ds(HALF, HALF)] = s1 / jnp.maximum(c1, one)

        start_gather(0, rows0, sem0)

        def outer(j, carry):
            b0 = 2 * j
            start_gather(b0 + 1, rows1, sem1)
            wait_gather(b0, rows0, sem0)
            reduce_rows(rows0, b0)

            @pl.when(j < BPW // 2 - 1)
            def _():
                start_gather(b0 + 2, rows0, sem0)

            wait_gather(b0 + 1, rows1, sem1)
            reduce_rows(rows1, b0 + 1)
            return carry

        lax.fori_loop(0, BPW // 2, outer, 0)
        pltpu.sync_copy(xm_v, out_hbm.at[pl.ds(base, BPW), :])

    return pool(iit, emb)


def _tc_mlp(xm, w1, b1, w2, b2):
    h1 = w1.shape[1]
    h2 = w2.shape[1]
    bt = 512

    def body(x_ref, w1_ref, b1_ref, w2_ref, b2_ref, o_ref):
        x = x_ref[...]
        h = jnp.dot(x, w1_ref[...], preferred_element_type=jnp.float32)
        h = jnp.maximum(h + b1_ref[...], 0.0)
        z = jnp.dot(h, w2_ref[...], preferred_element_type=jnp.float32)
        o_ref[...] = jax.nn.sigmoid(z + b2_ref[...])

    return pl.pallas_call(
        body,
        grid=(BATCH // bt,),
        in_specs=[
            pl.BlockSpec((bt, EMBD), lambda i: (i, 0)),
            pl.BlockSpec((EMBD, h1), lambda i: (0, 0)),
            pl.BlockSpec((1, h1), lambda i: (0, 0)),
            pl.BlockSpec((h1, h2), lambda i: (0, 0)),
            pl.BlockSpec((1, h2), lambda i: (0, 0)),
        ],
        out_specs=pl.BlockSpec((bt, h2), lambda i: (i, 0)),
        out_shape=jax.ShapeDtypeStruct((BATCH, h2), jnp.float32),
    )(xm, w1, b1.reshape(1, -1), w2, b2.reshape(1, -1))


def kernel(II, emb, W1, b1, W2, b2):
    iit = II.T.reshape(-1)
    xm = _sc_pool(iit, emb)
    return _tc_mlp(xm, W1, b1, W2, b2)

# --- scband reference (transcript-rebuilt; emitter-appended) ---
"""Pipeline reference for scband-mean-embedding-network-970662609115 (READ-ONLY COPY).

The authoritative reference and input builder live on the scoring server;
editing this copy changes nothing except your own understanding.
"""

import jax, jax.numpy as jnp
import numpy as np

N_WORDS = 1000000
EMBDIM = 32
SIZES = [512, 128]
IGNORE_IND = 1000000
L = 200
B = 4096


def setup_inputs(seed: int = 0) -> dict:
    key = jax.random.key(seed)
    k1, k2, k3, k4, k5, k6 = jax.random.split(key, 6)
    II = jax.random.randint(k1, (L, B), 0, N_WORDS, dtype=jnp.int32)
    emb = jax.random.normal(k2, (N_WORDS + 1, EMBDIM), dtype=jnp.float32) * 0.02
    W1 = jax.random.normal(k3, (EMBDIM, SIZES[0]), dtype=jnp.float32) * (1.0 / np.sqrt(EMBDIM))
    b1 = jax.random.normal(k4, (SIZES[0],), dtype=jnp.float32) * 0.01
    W2 = jax.random.normal(k5, (SIZES[0], SIZES[1]), dtype=jnp.float32) * (1.0 / np.sqrt(SIZES[0]))
    b2 = jax.random.normal(k6, (SIZES[1],), dtype=jnp.float32) * 0.01
    return {"II": II, "emb": emb, "W1": W1, "b1": b1, "W2": W2, "b2": b2}


def reference(II, emb, W1, b1, W2, b2):
    # nn.Embedding with padding_idx=ignore_ind: padding row is zero
    emb_eff = emb.at[IGNORE_IND].set(0.0)
    X = jnp.take(emb_eff, II, axis=0)  # [L, B, D]
    mask = (X != 0).astype(jnp.float32)
    Xm = (X * mask).sum(axis=0) / jnp.maximum(mask.sum(axis=0), 1.0)  # [B, D]
    H = jax.nn.relu(Xm @ W1 + b1)
    out = jax.nn.sigmoid(H @ W2 + b2)
    return out

if __name__ == "__main__":
    import jax
    _d = setup_inputs()
    print(jax.jit(kernel)(*tuple(_d.values())))

</pallas_src>

<mosaic_0001>
#map = affine_map<(d0, d1) -> (0)>
#map1 = affine_map<(d0, d1) -> (0, 0)>
module attributes {stable_mosaic.version = 14 : i64} {
  func.func @pool(%arg0: i32, %arg1: i32, %arg2: memref<819200xi32, #tpu.memory_space<hbm>>, %arg3: memref<1000001x32xf32, #tpu.memory_space<hbm>>, %arg4: memref<4096x32xf32, #tpu.memory_space<hbm>>, %arg5: memref<25600xi32, #tpu.memory_space<vmem>>, %arg6: memref<200x32xf32, #tpu.memory_space<vmem>>, %arg7: memref<200x32xf32, #tpu.memory_space<vmem>>, %arg8: memref<128x32xf32, #tpu.memory_space<vmem>>, %arg9: memref<!tpu.dma_semaphore, #tpu.memory_space<semaphore_mem>>, %arg10: memref<!tpu.dma_semaphore, #tpu.memory_space<semaphore_mem>>) attributes {dimension_semantics = [#tpu.dimension_semantics<core_parallel>, #tpu.dimension_semantics<subcore_parallel>], iteration_bounds = array<i64: 2, 16>, scalar_prefetch = 0 : i64, scratch_operands = 6 : i64, tpu.core_type = #tpu.core_type<sc_vector_subcore>, window_params = [{transform_indices = #map}, {transform_indices = #map1}, {transform_indices = #map1}]} {
    %mul3A = arith.constant 2 : i32
    %mul3A_0 = arith.muli %arg1, %mul3A : i32
    %add3A = arith.addi %mul3A_0, %arg0 : i32
    %mul3A_1 = arith.constant 128 : i32
    %mul3A_2 = arith.muli %add3A, %mul3A_1 : i32
    %mul3A_3 = arith.constant 200 : i32
    %mul3A_4 = arith.muli %mul3A_2, %mul3A_3 : i32
    "tpu.region"() ({
      %run_scoped3A = tpu.sem_alloc : memref<!tpu.dma_semaphore, #tpu.memory_space<semaphore_mem>>
      %dma_start3A_14 = tpu.memref_slice %arg2[%mul3A_4] : memref<819200xi32, #tpu.memory_space<hbm>> -> memref<25600xi32, #tpu.memory_space<hbm>>
      %dma_start3A_15 = tpu.memref_slice %arg2[%mul3A_4] : memref<819200xi32, #tpu.memory_space<hbm>> -> memref<25600xi32, #tpu.memory_space<hbm>>
      tpu.enqueue_dma source(%dma_start3A_15 : memref<25600xi32, #tpu.memory_space<hbm>>) target(%arg5 : memref<25600xi32, #tpu.memory_space<vmem>>) target_semaphore(%run_scoped3A : memref<!tpu.dma_semaphore, #tpu.memory_space<semaphore_mem>>)
      %dma_wait3A = tpu.memref_slice %arg2[%mul3A_4] : memref<819200xi32, #tpu.memory_space<hbm>> -> memref<25600xi32, #tpu.memory_space<hbm>>
      %dma_wait3A_16 = tpu.memref_slice %arg2[%mul3A_4] : memref<819200xi32, #tpu.memory_space<hbm>> -> memref<25600xi32, #tpu.memory_space<hbm>>
      tpu.wait_dma2 semaphore(%run_scoped3A : memref<!tpu.dma_semaphore, #tpu.memory_space<semaphore_mem>>) src(%dma_wait3A_16 : memref<25600xi32, #tpu.memory_space<hbm>>) dst(%arg5 : memref<25600xi32, #tpu.memory_space<vmem>>)
      tpu.yield
    }) : () -> ()
    %multiple_of3A = arith.constant 0 : i32
    %multiple_of3A_5 = tpu.assume_multiple %multiple_of3A, 8 : i32
    %dma_start3A = tpu.memref_slice %arg5[%multiple_of3A_5] : memref<25600xi32, #tpu.memory_space<vmem>> -> memref<200xi32, #tpu.memory_space<vmem>>
    %dma_start3A_6 = arith.constant 0 : i32
    %dma_start3A_7 = arith.constant 0 : i32
    %dma_start3A_8 = tpu.memref_slice %arg3[%dma_start3A_6, %dma_start3A_7] : memref<1000001x32xf32, #tpu.memory_space<hbm>> -> memref<1000001x32xf32, #tpu.memory_space<hbm>>
    tpu.enqueue_indirect_dma source(%dma_start3A_8 : memref<1000001x32xf32, #tpu.memory_space<hbm>>) target(%arg6 : memref<200x32xf32, #tpu.memory_space<vmem>>) offsets(%dma_start3A : memref<200xi32, #tpu.memory_space<vmem>>) semaphore(%arg9 : memref<!tpu.dma_semaphore, #tpu.memory_space<semaphore_mem>>)
    %scan3A = arith.constant 0 : i32
    %scan3A_9 = arith.constant 0 : i32
    %scan3A_10 = arith.constant 64 : i32
    %scan3A_11 = arith.addi %scan3A_9, %scan3A_10 : i32
    %scan3A_12 = arith.constant 1 : i32
    scf.for %scan3A_14 = %scan3A_9 to %scan3A_11 step %scan3A_12  : i32 {
      %mul3A_15 = arith.constant 2 : i32
      %mul3A_16 = arith.muli %mul3A_15, %scan3A_14 : i32
      %add3A_17 = arith.constant 1 : i32
      %add3A_18 = arith.addi %mul3A_16, %add3A_17 : i32
      %mul3A_19 = arith.constant 200 : i32
      %mul3A_20 = arith.muli %add3A_18, %mul3A_19 : i32
      %multiple_of3A_21 = tpu.assume_multiple %mul3A_20, 8 : i32
      %dma_start3A_22 = tpu.memref_slice %arg5[%multiple_of3A_21] : memref<25600xi32, #tpu.memory_space<vmem>> -> memref<200xi32, #tpu.memory_space<vmem>>
      %dma_start3A_23 = arith.constant 0 : i32
      %dma_start3A_24 = arith.constant 0 : i32
      %dma_start3A_25 = tpu.memref_slice %arg3[%dma_start3A_23, %dma_start3A_24] : memref<1000001x32xf32, #tpu.memory_space<hbm>> -> memref<1000001x32xf32, #tpu.memory_space<hbm>>
      tpu.enqueue_indirect_dma source(%dma_start3A_25 : memref<1000001x32xf32, #tpu.memory_space<hbm>>) target(%arg7 : memref<200x32xf32, #tpu.memory_space<vmem>>) offsets(%dma_start3A_22 : memref<200xi32, #tpu.memory_space<vmem>>) semaphore(%arg10 : memref<!tpu.dma_semaphore, #tpu.memory_space<semaphore_mem>>)
      %mul3A_26 = arith.constant 200 : i32
      %mul3A_27 = arith.muli %mul3A_16, %mul3A_26 : i32
      %multiple_of3A_28 = tpu.assume_multiple %mul3A_27, 8 : i32
      %dma_wait3A = tpu.memref_slice %arg5[%multiple_of3A_28] : memref<25600xi32, #tpu.memory_space<vmem>> -> memref<200xi32, #tpu.memory_space<vmem>>
      %dma_wait3A_29 = arith.constant 0 : i32
      %dma_wait3A_30 = arith.constant 0 : i32
      %dma_wait3A_31 = tpu.memref_slice %arg3[%dma_wait3A_29, %dma_wait3A_30] : memref<1000001x32xf32, #tpu.memory_space<hbm>> -> memref<1000001x32xf32, #tpu.memory_space<hbm>>
      tpu.wait_indirect_dma semaphore(%arg9 : memref<!tpu.dma_semaphore, #tpu.memory_space<semaphore_mem>>) src(%dma_wait3A_31 : memref<1000001x32xf32, #tpu.memory_space<hbm>>) dst(%arg6 : memref<200x32xf32, #tpu.memory_space<vmem>>)
      %broadcast_in_dim3A = arith.constant 0.000000e+00 : f32
      %broadcast_in_dim3A_32 = vector.broadcast %broadcast_in_dim3A : f32 to vector<16xf32>
      %broadcast_in_dim3A_33 = arith.constant 1.000000e+00 : f32
      %broadcast_in_dim3A_34 = vector.broadcast %broadcast_in_dim3A_33 : f32 to vector<16xf32>
      %scan3A_35 = arith.constant 0 : i32
      %scan3A_36 = arith.constant 200 : i32
      %scan3A_37 = arith.addi %scan3A_35, %scan3A_36 : i32
      %scan3A_38 = arith.constant 1 : i32
      %scan3A_39:4 = scf.for %scan3A_89 = %scan3A_35 to %scan3A_37 step %scan3A_38 iter_args(%scan3A_90 = %broadcast_in_dim3A_32, %scan3A_91 = %broadcast_in_dim3A_32, %scan3A_92 = %broadcast_in_dim3A_32, %scan3A_93 = %broadcast_in_dim3A_32) -> (vector<16xf32>, vector<16xf32>, vector<16xf32>, vector<16xf32>)  : i32 {
        %get3A = arith.index_cast %scan3A_89 : i32 to index
        %get3A_94 = arith.constant 0 : index
        %get3A_95 = tpu.vector_load %arg6[%get3A, %get3A_94] {strides = array<i32>} : memref<200x32xf32, #tpu.memory_space<vmem>>, vector<1x16xf32>,
        %get3A_96 = vector.shape_cast %get3A_95 : vector<1x16xf32> to vector<16xf32>
        %get3A_97 = arith.index_cast %scan3A_89 : i32 to index
        %get3A_98 = arith.constant 16 : index
        %get3A_99 = tpu.vector_load %arg6[%get3A_97, %get3A_98] {strides = array<i32>} : memref<200x32xf32, #tpu.memory_space<vmem>>, vector<1x16xf32>,
        %get3A_100 = vector.shape_cast %get3A_99 : vector<1x16xf32> to vector<16xf32>
        %add3A_101 = arith.addf %scan3A_90, %get3A_96 : vector<16xf32>
        %add3A_102 = arith.addf %scan3A_91, %get3A_100 : vector<16xf32>
        %ne3A = arith.cmpf one, %get3A_96, %broadcast_in_dim3A_32 : vector<16xf32>
        %select_n3A = arith.select %ne3A, %broadcast_in_dim3A_34, %broadcast_in_dim3A_32 : vector<16xi1>, vector<16xf32>
        %add3A_103 = arith.addf %scan3A_92, %select_n3A : vector<16xf32>
        %ne3A_104 = arith.cmpf one, %get3A_100, %broadcast_in_dim3A_32 : vector<16xf32>
        %select_n3A_105 = arith.select %ne3A_104, %broadcast_in_dim3A_34, %broadcast_in_dim3A_32 : vector<16xi1>, vector<16xf32>
        %add3A_106 = arith.addf %scan3A_93, %select_n3A_105 : vector<16xf32>
        scf.yield %add3A_101, %add3A_102, %add3A_103, %add3A_106 : vector<16xf32>, vector<16xf32>, vector<16xf32>, vector<16xf32>
      }
      %scan3A_40 = arith.constant 200 : i32
      %max3A = arith.maximumf %scan3A_39#2, %broadcast_in_dim3A_34 : vector<16xf32>
      %div3A = arith.divf %scan3A_39#0, %max3A : vector<16xf32>
      %swap3A = arith.index_cast %mul3A_16 : i32 to index
      %swap3A_41 = arith.constant 0 : index
      %swap3A_42 = tpu.vector_load %arg8[%swap3A, %swap3A_41] {strides = array<i32>} : memref<128x32xf32, #tpu.memory_space<vmem>>, vector<1x16xf32>,
      %swap3A_43 = vector.shape_cast %swap3A_42 : vector<1x16xf32> to vector<16xf32>
      %swap3A_44 = vector.shape_cast %div3A : vector<16xf32> to vector<1x16xf32>
      tpu.vector_store %arg8[%swap3A, %swap3A_41], %swap3A_44 {strides = array<i32>} : memref<128x32xf32, #tpu.memory_space<vmem>>, vector<1x16xf32>,
      %max3A_45 = arith.maximumf %scan3A_39#3, %broadcast_in_dim3A_34 : vector<16xf32>
      %div3A_46 = arith.divf %scan3A_39#1, %max3A_45 : vector<16xf32>
      %swap3A_47 = arith.index_cast %mul3A_16 : i32 to index
      %swap3A_48 = arith.constant 16 : index
      %swap3A_49 = tpu.vector_load %arg8[%swap3A_47, %swap3A_48] {strides = array<i32>} : memref<128x32xf32, #tpu.memory_space<vmem>>, vector<1x16xf32>,
      %swap3A_50 = vector.shape_cast %swap3A_49 : vector<1x16xf32> to vector<16xf32>
      %swap3A_51 = vector.shape_cast %div3A_46 : vector<16xf32> to vector<1x16xf32>
      tpu.vector_store %arg8[%swap3A_47, %swap3A_48], %swap3A_51 {strides = array<i32>} : memref<128x32xf32, #tpu.memory_space<vmem>>, vector<1x16xf32>,
      %lt3A = arith.constant 63 : i32
      %lt3A_52 = arith.cmpi slt, %scan3A_14, %lt3A : i32
      %convert_element_type3A = arith.extui %lt3A_52 : i1 to i32
      %cond3A = arith.constant 0 : i32
      %cond3A_53 = arith.cmpi ne, %convert_element_type3A, %cond3A : i32
      scf.if %cond3A_53 {
        %add3A_89 = arith.constant 2 : i32
        %add3A_90 = arith.addi %mul3A_16, %add3A_89 : i32
        %mul3A_91 = arith.constant 200 : i32
        %mul3A_92 = arith.muli %add3A_90, %mul3A_91 : i32
        %multiple_of3A_93 = tpu.assume_multiple %mul3A_92, 8 : i32
        %dma_start3A_94 = tpu.memref_slice %arg5[%multiple_of3A_93] : memref<25600xi32, #tpu.memory_space<vmem>> -> memref<200xi32, #tpu.memory_space<vmem>>
        %dma_start3A_95 = arith.constant 0 : i32
        %dma_start3A_96 = arith.constant 0 : i32
        %dma_start3A_97 = tpu.memref_slice %arg3[%dma_start3A_95, %dma_start3A_96] : memref<1000001x32xf32, #tpu.memory_space<hbm>> -> memref<1000001x32xf32, #tpu.memory_space<hbm>>
        tpu.enqueue_indirect_dma source(%dma_start3A_97 : memref<1000001x32xf32, #tpu.memory_space<hbm>>) target(%arg6 : memref<200x32xf32, #tpu.memory_space<vmem>>) offsets(%dma_start3A_94 : memref<200xi32, #tpu.memory_space<vmem>>) semaphore(%arg9 : memref<!tpu.dma_semaphore, #tpu.memory_space<semaphore_mem>>)
      } else {
      }
      %add3A_54 = arith.constant 1 : i32
      %add3A_55 = arith.addi %mul3A_16, %add3A_54 : i32
      %mul3A_56 = arith.constant 200 : i32
      %mul3A_57 = arith.muli %add3A_55, %mul3A_56 : i32
      %multiple_of3A_58 = tpu.assume_multiple %mul3A_57, 8 : i32
      %dma_wait3A_59 = tpu.memref_slice %arg5[%multiple_of3A_58] : memref<25600xi32, #tpu.memory_space<vmem>> -> memref<200xi32, #tpu.memory_space<vmem>>
      %dma_wait3A_60 = arith.constant 0 : i32
      %dma_wait3A_61 = arith.constant 0 : i32
      %dma_wait3A_62 = tpu.memref_slice %arg3[%dma_wait3A_60, %dma_wait3A_61] : memref<1000001x32xf32, #tpu.memory_space<hbm>> -> memref<1000001x32xf32, #tpu.memory_space<hbm>>
      tpu.wait_indirect_dma semaphore(%arg10 : memref<!tpu.dma_semaphore, #tpu.memory_space<semaphore_mem>>) src(%dma_wait3A_62 : memref<1000001x32xf32, #tpu.memory_space<hbm>>) dst(%arg7 : memref<200x32xf32, #tpu.memory_space<vmem>>)
      %add3A_63 = arith.constant 1 : i32
      %add3A_64 = arith.addi %mul3A_16, %add3A_63 : i32
      %broadcast_in_dim3A_65 = arith.constant 0.000000e+00 : f32
      %broadcast_in_dim3A_66 = vector.broadcast %broadcast_in_dim3A_65 : f32 to vector<16xf32>
      %broadcast_in_dim3A_67 = arith.constant 1.000000e+00 : f32
      %broadcast_in_dim3A_68 = vector.broadcast %broadcast_in_dim3A_67 : f32 to vector<16xf32>
      %scan3A_69 = arith.constant 0 : i32
      %scan3A_70 = arith.constant 200 : i32
      %scan3A_71 = arith.addi %scan3A_69, %scan3A_70 : i32
      %scan3A_72 = arith.constant 1 : i32
      %scan3A_73:4 = scf.for %scan3A_89 = %scan3A_69 to %scan3A_71 step %scan3A_72 iter_args(%scan3A_90 = %broadcast_in_dim3A_66, %scan3A_91 = %broadcast_in_dim3A_66, %scan3A_92 = %broadcast_in_dim3A_66, %scan3A_93 = %broadcast_in_dim3A_66) -> (vector<16xf32>, vector<16xf32>, vector<16xf32>, vector<16xf32>)  : i32 {
        %get3A = arith.index_cast %scan3A_89 : i32 to index
        %get3A_94 = arith.constant 0 : index
        %get3A_95 = tpu.vector_load %arg7[%get3A, %get3A_94] {strides = array<i32>} : memref<200x32xf32, #tpu.memory_space<vmem>>, vector<1x16xf32>,
        %get3A_96 = vector.shape_cast %get3A_95 : vector<1x16xf32> to vector<16xf32>
        %get3A_97 = arith.index_cast %scan3A_89 : i32 to index
        %get3A_98 = arith.constant 16 : index
        %get3A_99 = tpu.vector_load %arg7[%get3A_97, %get3A_98] {strides = array<i32>} : memref<200x32xf32, #tpu.memory_space<vmem>>, vector<1x16xf32>,
        %get3A_100 = vector.shape_cast %get3A_99 : vector<1x16xf32> to vector<16xf32>
        %add3A_101 = arith.addf %scan3A_90, %get3A_96 : vector<16xf32>
        %add3A_102 = arith.addf %scan3A_91, %get3A_100 : vector<16xf32>
        %ne3A = arith.cmpf one, %get3A_96, %broadcast_in_dim3A_66 : vector<16xf32>
        %select_n3A = arith.select %ne3A, %broadcast_in_dim3A_68, %broadcast_in_dim3A_66 : vector<16xi1>, vector<16xf32>
        %add3A_103 = arith.addf %scan3A_92, %select_n3A : vector<16xf32>
        %ne3A_104 = arith.cmpf one, %get3A_100, %broadcast_in_dim3A_66 : vector<16xf32>
        %select_n3A_105 = arith.select %ne3A_104, %broadcast_in_dim3A_68, %broadcast_in_dim3A_66 : vector<16xi1>, vector<16xf32>
        %add3A_106 = arith.addf %scan3A_93, %select_n3A_105 : vector<16xf32>
        scf.yield %add3A_101, %add3A_102, %add3A_103, %add3A_106 : vector<16xf32>, vector<16xf32>, vector<16xf32>, vector<16xf32>
      }
      %scan3A_74 = arith.constant 200 : i32
      %max3A_75 = arith.maximumf %scan3A_73#2, %broadcast_in_dim3A_68 : vector<16xf32>
      %div3A_76 = arith.divf %scan3A_73#0, %max3A_75 : vector<16xf32>
      %swap3A_77 = arith.index_cast %add3A_64 : i32 to index
      %swap3A_78 = arith.constant 0 : index
      %swap3A_79 = tpu.vector_load %arg8[%swap3A_77, %swap3A_78] {strides = array<i32>} : memref<128x32xf32, #tpu.memory_space<vmem>>, vector<1x16xf32>,
      %swap3A_80 = vector.shape_cast %swap3A_79 : vector<1x16xf32> to vector<16xf32>
      %swap3A_81 = vector.shape_cast %div3A_76 : vector<16xf32> to vector<1x16xf32>
      tpu.vector_store %arg8[%swap3A_77, %swap3A_78], %swap3A_81 {strides = array<i32>} : memref<128x32xf32, #tpu.memory_space<vmem>>, vector<1x16xf32>,
      %max3A_82 = arith.maximumf %scan3A_73#3, %broadcast_in_dim3A_68 : vector<16xf32>
      %div3A_83 = arith.divf %scan3A_73#1, %max3A_82 : vector<16xf32>
      %swap3A_84 = arith.index_cast %add3A_64 : i32 to index
      %swap3A_85 = arith.constant 16 : index
      %swap3A_86 = tpu.vector_load %arg8[%swap3A_84, %swap3A_85] {strides = array<i32>} : memref<128x32xf32, #tpu.memory_space<vmem>>, vector<1x16xf32>,
      %swap3A_87 = vector.shape_cast %swap3A_86 : vector<1x16xf32> to vector<16xf32>
      %swap3A_88 = vector.shape_cast %div3A_83 : vector<16xf32> to vector<1x16xf32>
      tpu.vector_store %arg8[%swap3A_84, %swap3A_85], %swap3A_88 {strides = array<i32>} : memref<128x32xf32, #tpu.memory_space<vmem>>, vector<1x16xf32>,
    }
    %scan3A_13 = arith.constant 64 : i32
    "tpu.region"() ({
      %run_scoped3A = tpu.sem_alloc : memref<!tpu.dma_semaphore, #tpu.memory_space<semaphore_mem>>
      %dma_start3A_14 = arith.constant 0 : i32
      %dma_start3A_15 = tpu.memref_slice %arg4[%mul3A_2, %dma_start3A_14] : memref<4096x32xf32, #tpu.memory_space<hbm>> -> memref<128x32xf32, #tpu.memory_space<hbm>>
      %dma_start3A_16 = arith.constant 0 : i32
      %dma_start3A_17 = tpu.memref_slice %arg4[%mul3A_2, %dma_start3A_16] : memref<4096x32xf32, #tpu.memory_space<hbm>> -> memref<128x32xf32, #tpu.memory_space<hbm>>
      tpu.enqueue_dma source(%arg8 : memref<128x32xf32, #tpu.memory_space<vmem>>) target(%dma_start3A_17 : memref<128x32xf32, #tpu.memory_space<hbm>>) target_semaphore(%run_scoped3A : memref<!tpu.dma_semaphore, #tpu.memory_space<semaphore_mem>>)
      %dma_wait3A = arith.constant 0 : i32
      %dma_wait3A_18 = tpu.memref_slice %arg4[%mul3A_2, %dma_wait3A] : memref<4096x32xf32, #tpu.memory_space<hbm>> -> memref<128x32xf32, #tpu.memory_space<hbm>>
      %dma_wait3A_19 = arith.constant 0 : i32
      %dma_wait3A_20 = tpu.memref_slice %arg4[%mul3A_2, %dma_wait3A_19] : memref<4096x32xf32, #tpu.memory_space<hbm>> -> memref<128x32xf32, #tpu.memory_space<hbm>>
      tpu.wait_dma2 semaphore(%run_scoped3A : memref<!tpu.dma_semaphore, #tpu.memory_space<semaphore_mem>>) src(%arg8 : memref<128x32xf32, #tpu.memory_space<vmem>>) dst(%dma_wait3A_20 : memref<128x32xf32, #tpu.memory_space<hbm>>)
      tpu.yield
    }) : () -> ()
    return
  }
}

module attributes {stable_mosaic.version = 14 : i64} {
  func.func @body(%arg0: i32, %arg1: memref<512x32xf32, #tpu.memory_space<vmem>>, %arg2: memref<32x512xf32, #tpu.memory_space<vmem>>, %arg3: memref<1x512xf32, #tpu.memory_space<vmem>>, %arg4: memref<512x128xf32, #tpu.memory_space<vmem>>, %arg5: memref<1x128xf32, #tpu.memory_space<vmem>>, %arg6: memref<512x128xf32, #tpu.memory_space<vmem>>) attributes {dimension_semantics = [#tpu.dimension_semantics<arbitrary>], iteration_bounds = array<i64: 8>, scalar_prefetch = 0 : i64, scratch_operands = 0 : i64, tpu.core_type = #tpu.core_type<tc>, window_params = [{transform_indices = @transform_0, window_bounds = array<i64: 512, 32>}, {pipeline_mode = #tpu.pipeline_mode<synchronous>, transform_indices = @transform_1, window_bounds = array<i64: 32, 512>}, {pipeline_mode = #tpu.pipeline_mode<synchronous>, transform_indices = @transform_2, window_bounds = array<i64: 1, 512>}, {pipeline_mode = #tpu.pipeline_mode<synchronous>, transform_indices = @transform_3, window_bounds = array<i64: 512, 128>}, {pipeline_mode = #tpu.pipeline_mode<synchronous>, transform_indices = @transform_4, window_bounds = array<i64: 1, 128>}, {transform_indices = @transform_5, window_bounds = array<i64: 512, 128>}]} {
    %get3A = arith.constant 0 : index
    %get3A_0 = arith.constant 0 : index
    %get3A_1 = vector.load %arg1[%get3A, %get3A_0] : memref<512x32xf32, #tpu.memory_space<vmem>>, vector<512x32xf32>
    %get3A_2 = arith.constant 0 : index
    %get3A_3 = arith.constant 0 : index
    %get3A_4 = vector.load %arg2[%get3A_2, %get3A_3] : memref<32x512xf32, #tpu.memory_space<vmem>>, vector<32x512xf32>
    %dot_general3A = arith.constant dense<0.000000e+00> : vector<512x512xf32>
    %dot_general3A_5 = tpu.matmul %get3A_1, %get3A_4, %dot_general3A {dimension_numbers = #tpu.dot_dimension_numbers<[1], [0], [0], [1], [0, 0, 1, 1], [], []>, transpose_lhs_hint = false} : vector<512x32xf32>, vector<32x512xf32>, vector<512x512xf32> -> vector<512x512xf32>
    %get3A_6 = arith.constant 0 : index
    %get3A_7 = arith.constant 0 : index
    %get3A_8 = vector.load %arg3[%get3A_6, %get3A_7] : memref<1x512xf32, #tpu.memory_space<vmem>>, vector<1x512xf32>
    %add3A = vector.broadcast %get3A_8 : vector<1x512xf32> to vector<512x512xf32>
    %add3A_9 = arith.addf %dot_general3A_5, %add3A : vector<512x512xf32>
    %max3A = arith.constant 0.000000e+00 : f32
    %max3A_10 = vector.broadcast %max3A : f32 to vector<512x512xf32>
    %max3A_11 = arith.maximumf %add3A_9, %max3A_10 : vector<512x512xf32>
    %get3A_12 = arith.constant 0 : index
    %get3A_13 = arith.constant 0 : index
    %get3A_14 = vector.load %arg4[%get3A_12, %get3A_13] : memref<512x128xf32, #tpu.memory_space<vmem>>, vector<512x128xf32>
    %dot_general3A_15 = arith.constant dense<0.000000e+00> : vector<512x128xf32>
    %dot_general3A_16 = tpu.matmul %max3A_11, %get3A_14, %dot_general3A_15 {dimension_numbers = #tpu.dot_dimension_numbers<[1], [0], [0], [1], [0, 0, 1, 1], [], []>, transpose_lhs_hint = false} : vector<512x512xf32>, vector<512x128xf32>, vector<512x128xf32> -> vector<512x128xf32>
    %get3A_17 = arith.constant 0 : index
    %get3A_18 = arith.constant 0 : index
    %get3A_19 = vector.load %arg5[%get3A_17, %get3A_18] : memref<1x128xf32, #tpu.memory_space<vmem>>, vector<1x128xf32>
    %add3A_20 = vector.broadcast %get3A_19 : vector<1x128xf32> to vector<512x128xf32>
    %add3A_21 = arith.addf %dot_general3A_16, %add3A_20 : vector<512x128xf32>
    %logistic3A = arith.negf %add3A_21 : vector<512x128xf32>
    %logistic3A_22 = math.exp %logistic3A : vector<512x128xf32>
    %logistic3A_23 = arith.constant 1.000000e+00 : f32
    %logistic3A_24 = vector.broadcast %logistic3A_23 : f32 to vector<512x128xf32>
    %logistic3A_25 = arith.addf %logistic3A_24, %logistic3A_22 : vector<512x128xf32>
    %logistic3A_26 = arith.divf %logistic3A_24, %logistic3A_25 : vector<512x128xf32>
    %swap3A = arith.constant 0 : index
    %swap3A_27 = arith.constant 0 : index
    %swap3A_28 = vector.load %arg6[%swap3A, %swap3A_27] : memref<512x128xf32, #tpu.memory_space<vmem>>, vector<512x128xf32>
    tpu.vector_store %arg6[%swap3A, %swap3A_27], %logistic3A_26 {strides = array<i32>} : memref<512x128xf32, #tpu.memory_space<vmem>>, vector<512x128xf32>,
    return
  }
  func.func @transform_0(%arg0: i32) -> (i32, i32) {
    %c0_i32 = arith.constant 0 : i32
    %c0_i32_0 = arith.constant 0 : i32
    return %arg0, %c0_i32 : i32, i32
  }
  func.func @transform_1(%arg0: i32) -> (i32, i32) {
    %c0_i32 = arith.constant 0 : i32
    %c0_i32_0 = arith.constant 0 : i32
    %c0_i32_1 = arith.constant 0 : i32
    return %c0_i32, %c0_i32_0 : i32, i32
  }
  func.func @transform_2(%arg0: i32) -> (i32, i32) {
    %c0_i32 = arith.constant 0 : i32
    %c0_i32_0 = arith.constant 0 : i32
    %c0_i32_1 = arith.constant 0 : i32
    return %c0_i32, %c0_i32_0 : i32, i32
  }
  func.func @transform_3(%arg0: i32) -> (i32, i32) {
    %c0_i32 = arith.constant 0 : i32
    %c0_i32_0 = arith.constant 0 : i32
    %c0_i32_1 = arith.constant 0 : i32
    return %c0_i32, %c0_i32_0 : i32, i32
  }
  func.func @transform_4(%arg0: i32) -> (i32, i32) {
    %c0_i32 = arith.constant 0 : i32
    %c0_i32_0 = arith.constant 0 : i32
    %c0_i32_1 = arith.constant 0 : i32
    return %c0_i32, %c0_i32_0 : i32, i32
  }
  func.func @transform_5(%arg0: i32) -> (i32, i32) {
    %c0_i32 = arith.constant 0 : i32
    %c0_i32_0 = arith.constant 0 : i32
    return %arg0, %c0_i32 : i32, i32
  }
}

</mosaic_0001>

<sc_bundles>
// kernel: kernel.4.cloned.1.call-start
scs
__scs_entry_jumppad:
0x0: {  	(pc) =	sbr.rel $0x88, $3  }
0x1: {  	(tag) =	ssettag $0x0;
	lr =	simm.s32 $0x1  }
0x2: {  	[smem:$0x3F9B] =	sst lr;
	_ =	strace $0xD0000000  }
0x3: {  	_ = 	snop  }
0x4: {  	_ = 	snop  }
0x5: {  	_ = 	snop  }
0x6: {  	_ = 	snop  }
0x7: {  	_ = 	snop  }
__scs_overlays_trampoline_lowered:
0x8: {  	[smem:$0x3FAA] =	sst s0  }
0x9: {  	[smem:$0x3FAB] =	sst s1  }
0xa: {  	[smem:$0x3FAC] =	sst s2  }
0xb: {  	[smem:$0x3FAD] =	sst s3  }
0xc: {  	[smem:$0x3FAE] =	sst s4  }
0xd: {  	[smem:$0x3FAF] =	sst s5  }
0xe: {  	[smem:$0x3FB0] =	sst s6  }
0xf: {  	[smem:$0x3FB1] =	sst s7  }
0x10: {  	[smem:$0x3FB2] =	sst s8  }
0x11: {  	[smem:$0x3FB3] =	sst s9;
	s0 =	simm.s32 @!p0 $0x0  }
0x12: {  	s1 =	sld [smem:$0x3F99];
	s0 =	simm.s32 @p0 $0x1  }
0x13: {  	[smem:$0x3FB4] =	sst s0;
	s0 =	simm.s32 @!p1 $0x0  }
0x14: {  	s2 =	sld [smem:$0x3F98];
	s0 =	simm.s32 @p1 $0x1  }
0x15: {  	[smem:$0x3FB5] =	sst s0;
	s0 =	simm.s32 @!p2 $0x0  }
0x16: {  	s3 =	sld [smem:$0x3FDB];
	s0 =	simm.s32 @p2 $0x1  }
0x17: {  	s4 =	simm.s32 $0x1BF5;
	[smem:$0x3FB7] =	sst s0  }
0x18: {  	s0 =	sld [smem:$0x3F9A];
	_ =	swait.ge [sflag:s4], $0x0  }
0x19: {  	s7 =	sld [smem:$0x3F9B]  }
0x1a: {  	s8 =	sadd.s32 $0xFFFFE003, lr  }
0x1b: {  	s9 =	sadd.s32 $0xFFFFFEF7, lr;
	s5 =	simm.s32 $0xFFFFFFFF;
	p2 =	slt.u32 s8, $0xFFFFF086  }
0x1c: {  	p1 =	slt.u32 s9, $0xF7A;
	s5 =	simm.s32 @!p2 $0x0  }
0x1d: {  	s5 =	simm.s32 @p1 $0x1;
	p0 =	seq.s32 s7, s2  }
0x1e: {  	s7 =	smul.u32 @!p0 $0xF7A, s2;
	p2 =	seq.s32 @!p0 s5, $0x0  }
0x1f: {  	s9 =	smul.u32 $0xF7A, s1;
	s8 =	simm.s32 @!p0 $0x1BF5;
	p2 =	por !p2, p0  }
0x20: {  	[sflag:s8] =	ssyncset.s32 @!p0 $0xFFFFF086;
	s6 =	sadd.s32 @!p0 s3, s7;
	s7 =	simm.s32 @!p0 $0x108  }
0x21: {  	s3 =	sadd.s32 s3, s9;
	s6 =	sadd.s32 @!p0 $0x88, s6;
	s7 =	simm.s32 @p2 $0x1082  }
0x22: {  	[simem:s7], [sflag:s8] =	dma.local @!p0 [hbm:s6], $0xF7A  }
0x23: {  	s9 =	sor.u32 $0xD0000000, s2;
	s6 =	simm.s32 $0x108;
	_ =	swait.ge @!p0 [sflag:s8], $0x0  }
0x24: {  	s3 =	sadd.s32 $0x88, s3;
	s6 =	simm.s32 @!p1 $0x1082;
	[sflag:s4] =	ssyncset.s32 $0xFFFFF086  }
0x25: {  	[simem:s6], [sflag:s4] =	dma.local [hbm:s3], $0xF7A  }
0x26: {  	[smem:$0x3F9B] =	sst s1;
	(tag) =	ssettag s2;
	_ =	strace s9  }
0x27: {  	s1 =	sld [smem:$0x3FAB]  }
0x28: {  	s2 =	sld [smem:$0x3FAC]  }
0x29: {  	s4 =	sld [smem:$0x3FAE]  }
0x2a: {  	p0 =	seq.s32 s5, $0x0;
	s5 =	sld [smem:$0x3FAF]  }
0x2b: {  	s6 =	sld [smem:$0x3FB0]  }
0x2c: {  	s7 =	sld [smem:$0x3FB1]  }
0x2d: {  	s3 =	simm.s32 $0x108;
	s8 =	sld [smem:$0x3FB2]  }
0x2e: {  	s3 =	simm.s32 @!p0 $0x1082;
	s9 =	sld [smem:$0x3FB3]  }
0x2f: {  	lr =	sadd.s32 s0, s3;
	s0 =	sld [smem:$0x3FAA]  }
0x30: {  	s3 =	sld [smem:$0x3FAD]  }
0x31: {  	[smem:$0x3FB6] =	sst s10  }
0x32: {  	s10 =	sld [smem:$0x3FB4];
	_ =	sdelay $0x3  }
0x33: {  	p0 =	seq.s32 s10, $0x1;
	s10 =	sld [smem:$0x3FB6];
	_ =	sdelay $0x3  }
0x34: {  	[smem:$0x3FB6] =	sst s10  }
0x35: {  	s10 =	sld [smem:$0x3FB5];
	_ =	sdelay $0x3  }
0x36: {  	p1 =	seq.s32 s10, $0x1;
	s10 =	sld [smem:$0x3FB6];
	_ =	sdelay $0x3  }
0x37: {  	[smem:$0x3FB6] =	sst s10  }
0x38: {  	s10 =	sld [smem:$0x3FB7]  }
0x39: {  	_ = 	snop;
	(pc) =	sbr.ind lr, $3  }
0x3a: {  	_ = 	snop  }
0x3b: {  	_ = 	snop  }
0x3c: {  	p2 =	seq.s32 s10, $0x1;
	s10 =	sld [smem:$0x3FB6]  }
0x3d: {  	_ =	shalt  }
0x3e: {  	_ =	shalt  }
0x3f: {  	_ =	shalt  }
0x40: {  	_ =	shalt  }
0x41: {  	_ =	shalt  }
0x42: {  	_ =	shalt  }
0x43: {  	_ =	shalt  }
0x44: {  	_ =	shalt  }
0x45: {  	_ =	shalt  }
0x46: {  	_ =	shalt  }
0x47: {  	_ =	shalt  }
0x48: {  	_ =	shalt  }
0x49: {  	_ =	shalt  }
0x4a: {  	_ =	shalt  }
0x4b: {  	_ =	shalt  }
0x4c: {  	_ =	shalt  }
0x4d: {  	_ =	shalt  }
0x4e: {  	_ =	shalt  }
0x4f: {  	_ =	shalt  }
0x50: {  	_ =	shalt  }
0x51: {  	_ =	shalt  }
0x52: {  	_ =	shalt  }
0x53: {  	_ =	shalt  }
0x54: {  	_ =	shalt  }
0x55: {  	_ =	shalt  }
0x56: {  	_ =	shalt  }
0x57: {  	_ =	shalt  }
0x58: {  	_ =	shalt  }
0x59: {  	_ =	shalt  }
0x5a: {  	_ =	shalt  }
0x5b: {  	_ =	shalt  }
0x5c: {  	_ =	shalt  }
0x5d: {  	_ =	shalt  }
0x5e: {  	_ =	shalt  }
0x5f: {  	_ =	shalt  }
0x60: {  	_ =	shalt  }
0x61: {  	_ =	shalt  }
0x62: {  	_ =	shalt  }
0x63: {  	_ =	shalt  }
0x64: {  	_ =	shalt  }
0x65: {  	_ =	shalt  }
0x66: {  	_ =	shalt  }
0x67: {  	_ =	shalt  }
0x68: {  	_ =	shalt  }
0x69: {  	_ =	shalt  }
0x6a: {  	_ =	shalt  }
0x6b: {  	_ =	shalt  }
0x6c: {  	_ =	shalt  }
0x6d: {  	_ =	shalt  }
0x6e: {  	_ =	shalt  }
0x6f: {  	_ =	shalt  }
0x70: {  	_ =	shalt  }
0x71: {  	_ =	shalt  }
0x72: {  	_ =	shalt  }
0x73: {  	_ =	shalt  }
0x74: {  	_ =	shalt  }
0x75: {  	_ =	shalt  }
0x76: {  	_ =	shalt  }
0x77: {  	_ =	shalt  }
0x78: {  	_ =	shalt  }
0x79: {  	_ =	shalt  }
0x7a: {  	_ =	shalt  }
0x7b: {  	_ =	shalt  }
0x7c: {  	_ =	shalt  }
0x7d: {  	_ =	shalt  }
0x7e: {  	_ =	shalt  }
0x7f: {  	_ =	shalt  }
0x80: {  	_ =	shalt  }
0x81: {  	_ =	shalt  }
0x82: {  	_ =	shalt  }
0x83: {  	_ =	shalt  }
0x84: {  	_ =	shalt  }
0x85: {  	_ =	shalt  }
0x86: {  	_ =	shalt  }
0x87: {  	_ =	shalt  }
.Lfunc_end0:
.L_simem_size_0:
called_computation_lowered:
.L_overlay_start_0:
0x88: {  	s2 =	sld [smem:$0x3FD9]  }
0x89: {  	s3 =	sld [smem:$0x3FFE];
	_ =	sdelay $0x1  }
0x8a: {  	s1 =	srdreg.scid  }
0x8b: {  	s0 =	sand.u32 $0x1, s1  }
0x8c: {  	s17 =	sshll.u32 s0, $0xA;
	s2 =	sadd.s32 s3, s2  }
0x8d: {  	s2 =	sadd.s32 s2, s17  }
0x8e: {  	[smem:$0x3FC2] =	sst s2  }
0x8f: {  	_ = 	snop  }
0x90: {  	s2 =	sld [smem:$0x3FD0];
	(tm) =	ssettm $0x1  }
0x91: {  	s18 =	sld [smem:$0x3FFB];
	_ =	sdelay $0x3  }
0x92: {  	_ =	strace s18  }
0x93: {  	s3 =	sld [smem:$0x3FFC];
	_ =	sdelay $0x3  }
0x94: {  	_ =	strace s3  }
0x95: {  	s3 =	sld [smem:$0x3FFD];
	_ =	sdelay $0x3  }
0x96: {  	_ =	strace s3  }
0x97: {  	_ =	strace $0x8FFFFFFF  }
0x98: {  	s19 =	sld [smem:$0x3FDB];
	_ =	sdelay $0x1  }
0x99: {  	s4 =	simm.s32 $_scs_section_size  }
0x9a: {  	s5 =	simm.s32 $_size__tile_overlayer_lowered;
	s6 =	simm.s32 $_tile_overlayer_lowered  }
0x9b: {  	s22 =	simm.s32 $0x1BFF;
	s21 =	sshll.u32 s6, $0x1;
	s3 =	sadd.s32 s4, s19  }
0x9c: {  	s7 =	simm.s32 $0x0;
	s20 =	sshll.u32 s5, $0x1;
	s5 =	sadd.s32 s21, s3  }
0x9d: {  	[timem:s7], [sflag:s22] =	dma.local [hbm:s5], s20  }
0x9e: {  	_ =	swait.ge [sflag:s22], s20  }
0x9f: {  	s4 =	ssub.s32 $0x0, s20;
	[sflag:s22] =	ssyncset.done $0x0  }
0xa0: {  	[sflag:s22] =	ssyncadd.s32 s4;
	_ =	sdelay $0x1  }
0xa1: {  	s23 =	simm.s32 $0x1B8B  }
0xa2: {  	_ =	swait.ge [sflag:s23], $0x1  }
0xa3: {  	[sflag:s23] =	ssyncset.done $0x0  }
0xa4: {  	s25 =	simm.s32 $0x1B8E;
	s24 =	sld [smem:$0x3FFE];
	[sflag:s23] =	ssyncadd.s32 $0xFFFFFFFF  }
0xa5: {  	s26 =	simm.s32 $execute0_lowered;
	[smem:$0x3FD2] =	sst s25  }
0xa6: {  	s5 =	sshll.u32 s26, $0x1;
	_ =	strace $0x80000046;
	[dreg:$0x1] =	wrdreg $0xFFFFFFFF  }
0xa7: {  	s28 =	simm.s32 $_size_execute0_lowered;
	s3 =	sadd.s32 s3, s5;
	[dreg:$0x0] =	wrdreg $0x0  }
0xa8: {  	s5 =	sshll.u32 s28, $0x1;
	[dreg:$0x2] =	wrdreg s3  }
0xa9: {  	[dreg:$0x3] =	wrdreg s5  }
0xaa: {  	[dreg:$0x4] =	wrdreg $0xC0  }
0xab: {  	_ =	task [dreg:s7], $0x5FFFF  }
0xac: {  	[dreg:$0x1] =	wrdreg $0xFFFFFFFF  }
0xad: {  	[dreg:$0x0] =	wrdreg $0x60  }
0xae: {  	[dreg:$0x2] =	wrdreg s24  }
0xaf: {  	[dreg:$0x3] =	wrdreg s2  }
0xb0: {  	[dreg:$0x4] =	wrdreg $0x9  }
0xb1: {  	_ =	task.clear_ibuf [dreg:s7], $0x5FFFF;
	_ =	strace $0x90000046  }
0xb2: {  	s29 =	simm.s32 $0x9;
	_ =	strace $0x80000048  }
0xb3: {  	_ =	swait.ge [sflag:s29], $0x1  }
0xb4: {  	[sflag:s29] =	ssyncadd.s32 $0xFFFFFFFF  }
0xb5: {  	_ =	strace $0x90000048  }
0xb6: {  	_ =	sfence  }
0xb7: {  	s30 =	sld [smem:$0x0];
	_ =	sdelay $0x2  }
0xb8: {  	s31 =	sshll.u32 s1, $0xD;
	s1 =	sshrl.u32 s1, $0x2  }
0xb9: {  	s3 =	sand.u32 $0x4000, s31;
	s1 =	sadd.s32 s1, s30  }
0xba: {  	s0 =	sor.u32 s3, s0;
	s1 =	sshll.u32 s1, $0x11  }
0xbb: {  	s0 =	sor.u32 s1, s0  }
0xbc: {  	s0 =	sadd.s32 $0x8F2B, s0  }
0xbd: {  	[sflag:s0] =	ssyncadd.remote.s32 $0x1  }
0xbe: {  	_ =	sfence.sel $0xFFFF  }
0xbf: {  	[dreg:$0x0] =	wrdreg $0xFFFFFFFF;
	(pc) =	sbr.abs _section_cstart, $3  }
0xc0: {  	[dreg:$0x1] =	wrdreg $0xFFFFFFFF  }
0xc1: {  	_ =	task.clear_ibuf [dreg:s7], $0x2FFFF;
	_ =	strace $0x9FFFFFFF  }
0xc2: {  	(tm) =	ssettm $0x7FFFFFFF  }
0xc3: {  	_ =	shalt  }
tec
execute0_lowered:
.L_overlay_start_1:
0x0: {  	(tag) =	ssettag $0x1  }
0x1: {  	s1 =	srdreg.scid;
	s3 =	rddreg [dreg:$0x0]  }
0x2: {  	s0 =	stileid.u32;
	s5 =	rddreg [dreg:$0x1];
	s2 =	simm.s32 $0x0  }
0x3: {  	s9 =	simm.s32 $0x6400;
	s10 =	simm.s32 $0x7D00;
	s11 =	simm.s32 $0x1  }
0x4: {  	s12 =	simm.s32 $0x2;
	s13 =	simm.s32 $0x9600;
	s14 =	simm.s32 $0x0  }
0x5: {  	s4 =	sand.u32 $0x1, s1;
	s31 =	sshll.u32 s0, $0x1;
	s1 =	rddreg [dreg:$0x2]  }
0x6: {  	[smem:$0x7FF] =	sst s2;
	s6 =	sor.u32 s4, s31;
	s4 =	ssub.s32 $0x2, s4  }
0x7: {  	s7 =	smul.u32 $0xC80, s6;
	s8 =	sshrl.u32 s4, $0x1;
	s6 =	sshll.u32 s6, $0x9  }
0x8: {  	_ =	strace $0x80000047;
	s8 =	ssub.s32 s4, s8;
	s5 =	sadd.s32 s5, s6  }
0x9: {  	s7 =	sadd.s32 s7, s3;
	s3 =	sadd.s32 $0xF43400, s3;
	s6 =	smax.u32 s8, $0x1  }
0xa: {  	v0 =	vimm.f32 $0.0e+00;
	s8 =	simm.s32 $0xC8;
	s4 =	sadd.s32 $0xE00, s7;
	s7 =	simm.s32 $0x3  }
.LBB2_1:
0xb: {  	[tilespmem:s2], [sflag:$0x3] =	stream.linear.gather [hbm4b:s4+s2], $0x6400, $0x38;
	[tilespmem:$0xA600] =	vst v63  }
0xc: {  	_ =	swait.ge [sflag:s7], $0x6400  }
0xd: {  	[sflag:s7] =	ssyncset.done $0x0  }
0xe: {  	s15 =	simm.s32 $0x0;
	[sflag:s7] =	ssyncadd.s32 $0xFFFF9C00  }
0xf: {  	[tilespmem:s9], [sflag:$0x1] =	stream.indirect.gather [hbm4b:s3+s8], $0x20, s2, s8, $0xb8;
	[tilespmem:$0xA600] =	vst v63  }
.LBB2_2:
0x10: {  	s16 =	sshllo.u32 s15, $0x1  }
0x11: {  	s17 =	smul.u32 $0x320, s16;
	_ =	sdelay $0x1  }
0x12: {  	s17 =	sshra.s32 s17, $0x2  }
0x13: {  	[tilespmem:s10], [sflag:$0x2] =	stream.indirect.gather [hbm4b:s3+s8], $0x20, s17, s8, $0xb8;
	[tilespmem:$0xA600] =	vst v63  }
0x14: {  	_ =	swait.ge [sflag:s11], $0x1900  }
0x15: {  	[sflag:s11] =	ssyncset.done $0x0  }
0x16: {  	s18 =	simm.s32 $0x0;
	[sflag:s11] =	ssyncadd.s32 $0xFFFFE700  }
0x17: {  	v2 =	vld [tilespmem:s18+$0x6410]  }
0x18: {  	v3 =	vld [tilespmem:s18+$0x6400]  }
0x19: {  	v1 =	vimm.f32 $0.0e+00  }
0x1a: {  	v4 =	vimm.f32 $0.0e+00;
	v5 =	vimm.f32 $0.0e+00;
	v6 =	vimm.f32 $0.0e+00;
	s17 =	simm.s32 $0x80  }
.LBB2_3:
0x1b: {  	p0 =	sne.s32 s17, $0x6380  }
.Ltmp0:
0x1c: {  	s18 =	sshra.s32 s17, $0x2;
	s17 =	sadd.s32 $0x80, s17;
	v1 =	vadd.f32 v2, v1;
	vm0 =	vlt.f32 v2, $0.0e+00;
	vm1 =	vgt.f32 v2, $0.0e+00;
	(pc) =	sbr.rel @p0 .LBB2_3-.Ltmp0, $4  }
0x1d: {  	v2 =	vld [tilespmem:s18+$0x6410];
	vm2 =	vlt.f32 v3, $0.0e+00;
	vm3 =	vgt.f32 v3, $0.0e+00;
	vm0 =	vmor vm1, vm0  }
0x1e: {  	v4 =	vadd.f32 v3, v4;
	v3 =	vld [tilespmem:s18+$0x6400];
	vm1 =	vmor vm3, vm2;
	v7 =	vsel vm0, $0x3F800000, v0  }
0x1f: {  	v8 =	vsel vm1, $0x3F800000, v0;
	v5 =	vadd.f32 v7, v5  }
0x20: {  	v6 =	vadd.f32 v8, v6  }
0x21: {  	_ =	sdelay $0x1  }
0x22: {  	vm0 =	vlt.f32 v3, $0.0e+00;
	vm1 =	vgt.f32 v3, $0.0e+00  }
0x23: {  	vm2 =	vlt.f32 v2, $0.0e+00;
	vm15 =	vgt.f32 v2, $0.0e+00;
	vm0 =	vmor vm1, vm0  }
0x24: {  	vm1 =	vmor vm15, vm2;
	v7 =	vsel vm0, $0x3F800000, v0  }
0x25: {  	v6 =	vadd.f32 v7, v6;
	v7 =	vsel vm1, $0x3F800000, v0  }
0x26: {  	v5 =	vadd.f32 v7, v5  }
0x27: {  	v6 =	vmax.f32 v6, $1.000000000e+00  }
0x28: {  	(erf) = vrcp.f32 v6;
	v5 =	vmax.f32 v5, $1.000000000e+00  }
0x29: {  	(erf) = vrcp.f32 v5;
	_ =	sdelay $0x4  }
0x2a: {  	v3 =	vadd.f32 v3, v4;
	_ =	sdelay $0x2  }
0x2b: {  	p0 =	seq.s32 s15, $0x3F;
	v1 =	vadd.f32 v2, v1;
	v4 =	vpop (erf)  }
0x2c: {  	s17 =	sshll.u32 s15, $0x6;
	s18 =	smul.u32 @!p0 $0x640, s15;
	v2 =	vmul.f32 v4, v3;
	v3 =	vpop (erf)  }
0x2d: {  	s17 =	sand.u32 $0x3FFFFFC0, s17;
	v1 =	vmul.f32 v3, v1  }
0x2e: {  	s18 =	sshra.s32 @!p0 s18, $0x2;
	[tilespmem:s17+$0x9600] =	vst v2  }
0x2f: {  	s19 =	simm.s32 @!p0 $0x6400;
	[tilespmem:s17+$0x9610] =	vst v1;
	s17 =	sadd.s32 @!p0 $0x190, s18;
	s18 =	simm.s32 @!p0 $0xC8  }
0x30: {  	[tilespmem:s19], [sflag:$0x1] =	stream.indirect.gather @!p0 [hbm4b:s3+s18], $0x20, s17, s18, $0xb8;
	[tilespmem:$0xA600] =	vst v63  }
0x31: {  	_ =	swait.ge [sflag:s12], $0x1900  }
0x32: {  	[sflag:s12] =	ssyncset.done $0x0  }
0x33: {  	s31 =	simm.s32 $0x0;
	[sflag:s12] =	ssyncadd.s32 $0xFFFFE700  }
0x34: {  	v2 =	vld [tilespmem:s31+$0x7D10]  }
0x35: {  	v3 =	vld [tilespmem:s31+$0x7D00]  }
0x36: {  	v6 =	vimm.f32 $0.0e+00  }
0x37: {  	v5 =	vimm.f32 $0.0e+00;
	v4 =	vimm.f32 $0.0e+00;
	v1 =	vimm.f32 $0.0e+00;
	s17 =	simm.s32 $0x80  }
.LBB2_5:
0x38: {  	p0 =	sne.s32 s17, $0x6380  }
.Ltmp1:
0x39: {  	s18 =	sshra.s32 s17, $0x2;
	s17 =	sadd.s32 $0x80, s17;
	v1 =	vadd.f32 v2, v1;
	vm0 =	vlt.f32 v2, $0.0e+00;
	vm1 =	vgt.f32 v2, $0.0e+00;
	(pc) =	sbr.rel @p0 .LBB2_5-.Ltmp1, $4  }
0x3a: {  	v2 =	vld [tilespmem:s18+$0x7D10];
	vm2 =	vlt.f32 v3, $0.0e+00;
	vm3 =	vgt.f32 v3, $0.0e+00;
	vm0 =	vmor vm1, vm0  }
0x3b: {  	v4 =	vadd.f32 v3, v4;
	v3 =	vld [tilespmem:s18+$0x7D00];
	vm1 =	vmor vm3, vm2;
	v7 =	vsel vm0, $0x3F800000, v0  }
0x3c: {  	v8 =	vsel vm1, $0x3F800000, v0;
	v5 =	vadd.f32 v7, v5  }
0x3d: {  	v6 =	vadd.f32 v8, v6  }
0x3e: {  	_ =	sdelay $0x1  }
0x3f: {  	vm0 =	vlt.f32 v3, $0.0e+00;
	vm1 =	vgt.f32 v3, $0.0e+00  }
0x40: {  	vm2 =	vlt.f32 v2, $0.0e+00;
	vm15 =	vgt.f32 v2, $0.0e+00;
	vm0 =	vmor vm1, vm0  }
0x41: {  	vm1 =	vmor vm15, vm2;
	v7 =	vsel vm0, $0x3F800000, v0  }
0x42: {  	v62 =	vsel vm1, $0x3F800000, v0;
	v6 =	vadd.f32 v7, v6  }
0x43: {  	v5 =	vadd.f32 v62, v5  }
0x44: {  	v6 =	vmax.f32 v6, $1.000000000e+00  }
0x45: {  	v5 =	vmax.f32 v5, $1.000000000e+00;
	(erf) = vrcp.f32 v6  }
0x46: {  	(erf) = vrcp.f32 v5;
	_ =	sdelay $0x4  }
0x47: {  	v3 =	vadd.f32 v3, v4  }
0x48: {  	s15 =	sadd.s32 $0x1, s15  }
0x49: {  	p0 =	sne.s32 s15, $0x40  }
.Ltmp2:
0x4a: {  	v1 =	vadd.f32 v2, v1;
	v63 =	vpop (erf);
	(pc) =	sbr.rel @p0 .LBB2_2-.Ltmp2, $4  }
0x4b: {  	s16 =	sshll.u32 s16, $0x5;
	v2 =	vmul.f32 v63, v3;
	v3 =	vpop (erf)  }
0x4c: {  	s16 =	sand.u32 $0x3FFFFFE0, s16;
	v1 =	vmul.f32 v3, v1  }
0x4d: {  	[tilespmem:s16+$0x9600] =	vst v2  }
0x4e: {  	[tilespmem:s16+$0x9610] =	vst v1  }
0x4f: {  	s14 =	sadd.s32 $0x1, s14  }
0x50: {  	p0 =	sne.s32 s14, s6  }
.Ltmp3:
0x51: {  	_ = 	snop;
	(pc) =	sbr.rel @p0 .LBB2_1-.Ltmp3, $4  }
0x52: {  	[hbm4b:s5+s2] =	stream.linear.scatter [tilespmem:s13], [sflag:$0x3], $0x1000, $0x38;
	[tilespmem:$0xA600] =	vst v63  }
0x53: {  	_ =	swait.ge [sflag:s7], $0x1000  }
0x54: {  	[sflag:s7] =	ssyncset.done $0x0  }
0x55: {  	[sflag:s7] =	ssyncadd.s32 $0xFFFFF000  }
0x56: {  	_ =	sfence.sel $0x180000  }
0x57: {  	[bflag:$0x0] =	sbarrier.arrive $0xFFFF  }
0x58: {  	p0 =	sne.s32 s0, $0x0;
	_ =	strace $0x90000047  }
0x59: {  	s0 =	sadd.s32 @!p0 $0x100000, s1;
	[bflag:$0x2] =	sbarrier.arrive $0xFFFF  }
0x5a: {  	[sflag:s0] =	ssyncadd.tile.s32 @!p0 $0x1;
	_ =	shalt  }
.Lfunc_end2:
_tile_overlayer_lowered:
.L_overlay_start_2:
0x5b: {  	(tag) =	ssettag $0x2  }
0x5c: {  	s0 =	rddreg [dreg:$0x0];
	s2 =	stileid.u32  }
0x5d: {  	s1 =	rddreg [dreg:$0x1];
	p0 =	sne.s32 s2, $0x0  }
0x5e: {  	s3 =	rddreg [dreg:$0x2];
	[bflag:$0x3] =	sbarrier.arrive $0xFFFF;
	s2 =	simm.s32 @!p0 $0x1C03  }
0x5f: {  	[timem:s3], [sflag:s2] =	dma.local @!p0 [hbm:s0], s1  }
0x60: {  	s0 =	simm.s32 @!p0 $0x3  }
0x61: {  	_ =	swait.ge @!p0 [sflag:s0], s1  }
0x62: {  	s1 =	ssub.s32 @!p0 $0x0, s1;
	[sflag:s0] =	ssyncset.done @!p0 $0x0  }
0x63: {  	[sflag:s0] =	ssyncadd.s32 @!p0 s1  }
0x64: {  	[bflag:$0x3] =	sbarrier.arrive $0xFFFF  }
0x65: {  	_ =	shalt  }

</sc_bundles>
